<compile_context>
chip_gen: v7x
topology: tpu7x:2x2x1
jax: 0.10.2.dev20260603
libtpu: 0.0.44.dev20260713+nightly
codegen_flags: <defaults>
</compile_context>

<pallas_src>
import functools

import jax
import jax.numpy as jnp
from jax import lax
from jax.experimental import pallas as pl
from jax.experimental.pallas import tpu as pltpu
from jax.experimental.pallas import tpu_sc as plsc

_NC = 2
_NS = 16
_NW = _NC * _NS
_CHUNK = 128
_BM = 512


def _matmul_body(xe_ref, w_ref, o_ref):
    o_ref[...] = jnp.dot(xe_ref[...], w_ref[...],
                         preferred_element_type=jnp.float32)


def _combine_body(p0_ref, p1_ref, o_ref):
    o_ref[...] = jnp.maximum(p0_ref[0] + p1_ref[0], 0.0)


def _sc_segment_sum(table, gx, ge, s_idx, zeros, N, D, H, RP, cpw):
    mesh = plsc.VectorSubcoreMesh(core_axis_name="c", subcore_axis_name="s")
    out_rows = H // _NS
    zero_rows = H // _NS

    @functools.partial(
        pl.kernel,
        out_type=jax.ShapeDtypeStruct((_NC, H, D), jnp.float32),
        mesh=mesh,
        scratch_types=[
            pltpu.VMEM((cpw, _CHUNK), jnp.int32),
            pltpu.VMEM((cpw, _CHUNK), jnp.int32),
            pltpu.VMEM((cpw, _CHUNK), jnp.int32),
            pltpu.VMEM((_CHUNK, D), jnp.float32),
            pltpu.VMEM_SHARED((RP, D), jnp.float32),
            pltpu.VMEM_SHARED((H, D), jnp.float32),
        ],
    )
    def k(table_hbm, gx_hbm, ge_hbm, s_hbm, zeros_hbm, out_hbm,
          gx_v, ge_v, s_v, rows_v, emb_sh, h_sh):
        cid = lax.axis_index("c")
        sid = lax.axis_index("s")
        wid = sid * _NC + cid
        pltpu.sync_copy(zeros_hbm,
                        h_sh.at[pl.ds(sid * zero_rows, zero_rows)])
        @pl.when(sid == 0)
        def _():
            pltpu.sync_copy(table_hbm.at[pl.ds(N, RP)], emb_sh)
        pltpu.sync_copy(gx_hbm.at[wid], gx_v)
        pltpu.sync_copy(ge_hbm.at[wid], ge_v)
        pltpu.sync_copy(s_hbm.at[wid], s_v)
        plsc.subcore_barrier()

        def body_x(j, c):
            pltpu.sync_copy(table_hbm.at[gx_v.at[j]], rows_v)
            pltpu.sync_copy(rows_v, h_sh.at[s_v.at[j]], add=True)
            return c

        def body_e(j, c):
            pltpu.sync_copy(emb_sh.at[ge_v.at[j]], rows_v)
            pltpu.sync_copy(rows_v, h_sh.at[s_v.at[j]], add=True)
            return c

        lax.fori_loop(0, cpw, body_x, 0)
        lax.fori_loop(0, cpw, body_e, 0)
        plsc.subcore_barrier()
        pltpu.sync_copy(
            h_sh.at[pl.ds(sid * out_rows, out_rows)],
            out_hbm.at[cid, pl.ds(sid * out_rows, out_rows)])

    return k(table, gx, ge, s_idx, zeros)


def _worker_chunks(vals, pad_val, cpw):
    per_w = vals.shape[0] // _NW
    v = vals.reshape(_NW, per_w)
    v = jnp.pad(v, ((0, 0), (0, cpw * _CHUNK - per_w)), constant_values=pad_val)
    return v.reshape(_NW, cpw, _CHUNK)


def kernel(x, edge_index, edge_type, emb_rel, weight_neighbor, a, W3):
    del a, W3
    N, D = x.shape
    R = emb_rel.shape[0]
    E = edge_type.shape[0]
    src = edge_index[0]
    dst = edge_index[1]

    T = ((N + R) // _BM + 1) * _BM
    xe = jnp.concatenate([x, emb_rel], axis=0)
    xe = jnp.pad(xe, ((0, T - (N + R)), (0, 0)))
    table = pl.pallas_call(
        _matmul_body,
        grid=(T // _BM,),
        in_specs=[
            pl.BlockSpec((_BM, D), lambda i: (i, 0)),
            pl.BlockSpec((D, D), lambda i: (0, 0)),
        ],
        out_specs=pl.BlockSpec((_BM, D), lambda i: (i, 0)),
        out_shape=jax.ShapeDtypeStruct((T, D), jnp.float32),
    )(xe, weight_neighbor)

    per_w = E // _NW
    cpw = -(-per_w // _CHUNK)
    H = ((N + 1) // (_NS * 8) + 1) * (_NS * 8)
    RP = ((R // 8) + 1) * 8
    n_pad_w = cpw * _CHUNK - per_w
    pad_s = (jnp.arange(_NW * n_pad_w, dtype=jnp.int32) % N).reshape(_NW, n_pad_w)
    gx = _worker_chunks(src, N + R, cpw)
    ge = _worker_chunks(edge_type, R, cpw)
    dst_w = dst.reshape(_NW, per_w)
    s_pad = jnp.concatenate([dst_w, pad_s], axis=1).reshape(_NW, cpw, _CHUNK)
    zeros = jnp.zeros((H // _NS, D), jnp.float32)

    partials = _sc_segment_sum(table, gx, ge, s_pad, zeros,
                               N, D, H, RP, cpw)

    bn = 1000
    out = pl.pallas_call(
        _combine_body,
        grid=(N // bn,),
        in_specs=[
            pl.BlockSpec((1, bn, D), lambda i: (0, i, 0)),
            pl.BlockSpec((1, bn, D), lambda i: (1, i, 0)),
        ],
        out_specs=pl.BlockSpec((bn, D), lambda i: (i, 0)),
        out_shape=jax.ShapeDtypeStruct((N, D), jnp.float32),
    )(partials, partials)
    return out

# --- scband reference (transcript-rebuilt; emitter-appended) ---
"""Pipeline reference for scband-attention-rgcnlayer-79156247265994 (READ-ONLY COPY).

The authoritative reference and input builder live on the scoring server;
editing this copy changes nothing except your own understanding.
"""

import jax, jax.numpy as jnp
import numpy as np

N = 10000
E = 160000
D = 128
R = 200

def setup_inputs(seed: int = 0) -> dict:
    key = jax.random.key(seed)
    ks = jax.random.split(key, 7)
    x = jax.random.normal(ks[0], (N, D), dtype=jnp.float32)
    edge_index = jax.random.randint(ks[1], (2, E), 0, N, dtype=jnp.int32)
    edge_type = jax.random.randint(ks[2], (E,), 0, R, dtype=jnp.int32)
    emb_rel = jax.random.normal(ks[3], (R, D), dtype=jnp.float32) * 0.05
    weight_neighbor = jax.random.normal(ks[4], (D, D), dtype=jnp.float32) * (1.414 / np.sqrt(D))
    a = jax.random.normal(ks[5], (3 * D, 1), dtype=jnp.float32) * 0.05
    W3 = jax.random.normal(ks[6], (3 * D, 3 * D), dtype=jnp.float32) * (1.414 / np.sqrt(3 * D))
    return {"x": x, "edge_index": edge_index, "edge_type": edge_type,
            "emb_rel": emb_rel, "weight_neighbor": weight_neighbor, "a": a, "W3": W3}

def reference(x, edge_index, edge_type, emb_rel, weight_neighbor, a, W3):
    src = edge_index[0]
    dst = edge_index[1]
    # compute_alpha: gather src/dst node states and relation embeddings per edge
    zi = jnp.take(x, src, axis=0)
    zj = jnp.take(x, dst, axis=0)
    zr = jnp.take(emb_rel, edge_type, axis=0)
    emb_cat = jnp.concatenate([zi, zj, zr], axis=-1)          # [E, 3D]
    W = W3 @ a                                                # [3D, 1]
    alpha = jnp.exp(jax.nn.leaky_relu(emb_cat @ W, negative_slope=0.01))  # [E, 1]
    alpha = alpha / jnp.sum(alpha, axis=1, keepdims=True)     # row-wise norm (dim=1, as in torch)
    # msg_func: (src_h + rel) @ W_neighbor, weighted by alpha
    msg = ((zi + zr) @ weight_neighbor) * alpha               # [E, D]
    # update_all fn.sum('msg','h'): scatter-add messages to dst nodes
    h = jax.ops.segment_sum(msg, dst, num_segments=N)         # [N, D]
    # apply_func: relu
    node_repr = jax.nn.relu(h)
    return node_repr

if __name__ == "__main__":
    import jax
    _d = setup_inputs()
    print(jax.jit(kernel)(*tuple(_d.values())))

</pallas_src>

<mosaic_0001>
#map = affine_map<(d0, d1) -> (0, 0)>
#map1 = affine_map<(d0, d1) -> (0, 0, 0)>
module attributes {stable_mosaic.version = 14 : i64} {
  func.func @k(%arg0: i32, %arg1: i32, %arg2: memref<10240x128xf32, #tpu.memory_space<hbm>>, %arg3: memref<32x40x128xi32, #tpu.memory_space<hbm>>, %arg4: memref<32x40x128xi32, #tpu.memory_space<hbm>>, %arg5: memref<32x40x128xi32, #tpu.memory_space<hbm>>, %arg6: memref<632x128xf32, #tpu.memory_space<hbm>>, %arg7: memref<2x10112x128xf32, #tpu.memory_space<hbm>>, %arg8: memref<40x128xi32, #tpu.memory_space<vmem>>, %arg9: memref<40x128xi32, #tpu.memory_space<vmem>>, %arg10: memref<40x128xi32, #tpu.memory_space<vmem>>, %arg11: memref<128x128xf32, #tpu.memory_space<vmem>>, %arg12: memref<208x128xf32, #tpu.memory_space<vmem_shared>>, %arg13: memref<10112x128xf32, #tpu.memory_space<vmem_shared>>) attributes {dimension_semantics = [#tpu.dimension_semantics<core_parallel>, #tpu.dimension_semantics<subcore_parallel>], iteration_bounds = array<i64: 2, 16>, scalar_prefetch = 0 : i64, scratch_operands = 6 : i64, tpu.core_type = #tpu.core_type<sc_vector_subcore>, window_params = [{transform_indices = #map}, {transform_indices = #map1}, {transform_indices = #map1}, {transform_indices = #map1}, {transform_indices = #map}, {transform_indices = #map1}]} {
    %mul3A = arith.constant 2 : i32
    %mul3A_0 = arith.muli %arg1, %mul3A : i32
    %add3A = arith.addi %mul3A_0, %arg0 : i32
    %mul3A_1 = arith.constant 632 : i32
    %mul3A_2 = arith.muli %arg1, %mul3A_1 : i32
    "tpu.region"() ({
      %run_scoped3A = tpu.sem_alloc : memref<!tpu.dma_semaphore, #tpu.memory_space<semaphore_mem>>
      %dma_start3A = arith.constant 0 : i32
      %dma_start3A_21 = tpu.memref_slice %arg13[%mul3A_2, %dma_start3A] : memref<10112x128xf32, #tpu.memory_space<vmem_shared>> -> memref<632x128xf32, #tpu.memory_space<vmem_shared>>
      tpu.enqueue_dma source(%arg6 : memref<632x128xf32, #tpu.memory_space<hbm>>) target(%dma_start3A_21 : memref<632x128xf32, #tpu.memory_space<vmem_shared>>) target_semaphore(%run_scoped3A : memref<!tpu.dma_semaphore, #tpu.memory_space<semaphore_mem>>)
      %dma_wait3A = arith.constant 0 : i32
      %dma_wait3A_22 = tpu.memref_slice %arg13[%mul3A_2, %dma_wait3A] : memref<10112x128xf32, #tpu.memory_space<vmem_shared>> -> memref<632x128xf32, #tpu.memory_space<vmem_shared>>
      tpu.wait_dma2 semaphore(%run_scoped3A : memref<!tpu.dma_semaphore, #tpu.memory_space<semaphore_mem>>) src(%arg6 : memref<632x128xf32, #tpu.memory_space<hbm>>) dst(%dma_wait3A_22 : memref<632x128xf32, #tpu.memory_space<vmem_shared>>)
      tpu.yield
    }) : () -> ()
    %eq3A = arith.constant 0 : i32
    %eq3A_3 = arith.cmpi eq, %arg1, %eq3A : i32
    %convert_element_type3A = arith.extui %eq3A_3 : i1 to i32
    %cond3A = arith.constant 0 : i32
    %cond3A_4 = arith.cmpi ne, %convert_element_type3A, %cond3A : i32
    scf.if %cond3A_4 {
      "tpu.region"() ({
        %run_scoped3A = tpu.sem_alloc : memref<!tpu.dma_semaphore, #tpu.memory_space<semaphore_mem>>
        %dma_start3A = arith.constant 10000 : i32
        %dma_start3A_21 = arith.constant 0 : i32
        %dma_start3A_22 = tpu.memref_slice %arg2[%dma_start3A, %dma_start3A_21] : memref<10240x128xf32, #tpu.memory_space<hbm>> -> memref<208x128xf32, #tpu.memory_space<hbm>>
        tpu.enqueue_dma source(%dma_start3A_22 : memref<208x128xf32, #tpu.memory_space<hbm>>) target(%arg12 : memref<208x128xf32, #tpu.memory_space<vmem_shared>>) target_semaphore(%run_scoped3A : memref<!tpu.dma_semaphore, #tpu.memory_space<semaphore_mem>>)
        %dma_wait3A = arith.constant 10000 : i32
        %dma_wait3A_23 = arith.constant 0 : i32
        %dma_wait3A_24 = tpu.memref_slice %arg2[%dma_wait3A, %dma_wait3A_23] : memref<10240x128xf32, #tpu.memory_space<hbm>> -> memref<208x128xf32, #tpu.memory_space<hbm>>
        tpu.wait_dma2 semaphore(%run_scoped3A : memref<!tpu.dma_semaphore, #tpu.memory_space<semaphore_mem>>) src(%dma_wait3A_24 : memref<208x128xf32, #tpu.memory_space<hbm>>) dst(%arg12 : memref<208x128xf32, #tpu.memory_space<vmem_shared>>)
        tpu.yield
      }) : () -> ()
    } else {
    }
    "tpu.region"() ({
      %run_scoped3A = tpu.sem_alloc : memref<!tpu.dma_semaphore, #tpu.memory_space<semaphore_mem>>
      %dma_start3A = arith.constant 0 : i32
      %dma_start3A_21 = arith.constant 0 : i32
      %dma_start3A_22 = tpu.memref_slice %arg3[%add3A, %dma_start3A, %dma_start3A_21] : memref<32x40x128xi32, #tpu.memory_space<hbm>> -> memref<1x40x128xi32, #tpu.memory_space<hbm>>
      %dma_start3A_23 = tpu.memref_squeeze %dma_start3A_22 : memref<1x40x128xi32, #tpu.memory_space<hbm>> -> memref<40x128xi32, #tpu.memory_space<hbm>>
      %dma_start3A_24 = arith.constant 0 : i32
      %dma_start3A_25 = arith.constant 0 : i32
      %dma_start3A_26 = tpu.memref_slice %arg3[%add3A, %dma_start3A_24, %dma_start3A_25] : memref<32x40x128xi32, #tpu.memory_space<hbm>> -> memref<1x40x128xi32, #tpu.memory_space<hbm>>
      %dma_start3A_27 = tpu.memref_squeeze %dma_start3A_26 : memref<1x40x128xi32, #tpu.memory_space<hbm>> -> memref<40x128xi32, #tpu.memory_space<hbm>>
      tpu.enqueue_dma source(%dma_start3A_27 : memref<40x128xi32, #tpu.memory_space<hbm>>) target(%arg8 : memref<40x128xi32, #tpu.memory_space<vmem>>) target_semaphore(%run_scoped3A : memref<!tpu.dma_semaphore, #tpu.memory_space<semaphore_mem>>)
      %dma_wait3A = arith.constant 0 : i32
      %dma_wait3A_28 = arith.constant 0 : i32
      %dma_wait3A_29 = tpu.memref_slice %arg3[%add3A, %dma_wait3A, %dma_wait3A_28] : memref<32x40x128xi32, #tpu.memory_space<hbm>> -> memref<1x40x128xi32, #tpu.memory_space<hbm>>
      %dma_wait3A_30 = tpu.memref_squeeze %dma_wait3A_29 : memref<1x40x128xi32, #tpu.memory_space<hbm>> -> memref<40x128xi32, #tpu.memory_space<hbm>>
      %dma_wait3A_31 = arith.constant 0 : i32
      %dma_wait3A_32 = arith.constant 0 : i32
      %dma_wait3A_33 = tpu.memref_slice %arg3[%add3A, %dma_wait3A_31, %dma_wait3A_32] : memref<32x40x128xi32, #tpu.memory_space<hbm>> -> memref<1x40x128xi32, #tpu.memory_space<hbm>>
      %dma_wait3A_34 = tpu.memref_squeeze %dma_wait3A_33 : memref<1x40x128xi32, #tpu.memory_space<hbm>> -> memref<40x128xi32, #tpu.memory_space<hbm>>
      tpu.wait_dma2 semaphore(%run_scoped3A : memref<!tpu.dma_semaphore, #tpu.memory_space<semaphore_mem>>) src(%dma_wait3A_34 : memref<40x128xi32, #tpu.memory_space<hbm>>) dst(%arg8 : memref<40x128xi32, #tpu.memory_space<vmem>>)
      tpu.yield
    }) : () -> ()
    "tpu.region"() ({
      %run_scoped3A = tpu.sem_alloc : memref<!tpu.dma_semaphore, #tpu.memory_space<semaphore_mem>>
      %dma_start3A = arith.constant 0 : i32
      %dma_start3A_21 = arith.constant 0 : i32
      %dma_start3A_22 = tpu.memref_slice %arg4[%add3A, %dma_start3A, %dma_start3A_21] : memref<32x40x128xi32, #tpu.memory_space<hbm>> -> memref<1x40x128xi32, #tpu.memory_space<hbm>>
      %dma_start3A_23 = tpu.memref_squeeze %dma_start3A_22 : memref<1x40x128xi32, #tpu.memory_space<hbm>> -> memref<40x128xi32, #tpu.memory_space<hbm>>
      %dma_start3A_24 = arith.constant 0 : i32
      %dma_start3A_25 = arith.constant 0 : i32
      %dma_start3A_26 = tpu.memref_slice %arg4[%add3A, %dma_start3A_24, %dma_start3A_25] : memref<32x40x128xi32, #tpu.memory_space<hbm>> -> memref<1x40x128xi32, #tpu.memory_space<hbm>>
      %dma_start3A_27 = tpu.memref_squeeze %dma_start3A_26 : memref<1x40x128xi32, #tpu.memory_space<hbm>> -> memref<40x128xi32, #tpu.memory_space<hbm>>
      tpu.enqueue_dma source(%dma_start3A_27 : memref<40x128xi32, #tpu.memory_space<hbm>>) target(%arg9 : memref<40x128xi32, #tpu.memory_space<vmem>>) target_semaphore(%run_scoped3A : memref<!tpu.dma_semaphore, #tpu.memory_space<semaphore_mem>>)
      %dma_wait3A = arith.constant 0 : i32
      %dma_wait3A_28 = arith.constant 0 : i32
      %dma_wait3A_29 = tpu.memref_slice %arg4[%add3A, %dma_wait3A, %dma_wait3A_28] : memref<32x40x128xi32, #tpu.memory_space<hbm>> -> memref<1x40x128xi32, #tpu.memory_space<hbm>>
      %dma_wait3A_30 = tpu.memref_squeeze %dma_wait3A_29 : memref<1x40x128xi32, #tpu.memory_space<hbm>> -> memref<40x128xi32, #tpu.memory_space<hbm>>
      %dma_wait3A_31 = arith.constant 0 : i32
      %dma_wait3A_32 = arith.constant 0 : i32
      %dma_wait3A_33 = tpu.memref_slice %arg4[%add3A, %dma_wait3A_31, %dma_wait3A_32] : memref<32x40x128xi32, #tpu.memory_space<hbm>> -> memref<1x40x128xi32, #tpu.memory_space<hbm>>
      %dma_wait3A_34 = tpu.memref_squeeze %dma_wait3A_33 : memref<1x40x128xi32, #tpu.memory_space<hbm>> -> memref<40x128xi32, #tpu.memory_space<hbm>>
      tpu.wait_dma2 semaphore(%run_scoped3A : memref<!tpu.dma_semaphore, #tpu.memory_space<semaphore_mem>>) src(%dma_wait3A_34 : memref<40x128xi32, #tpu.memory_space<hbm>>) dst(%arg9 : memref<40x128xi32, #tpu.memory_space<vmem>>)
      tpu.yield
    }) : () -> ()
    "tpu.region"() ({
      %run_scoped3A = tpu.sem_alloc : memref<!tpu.dma_semaphore, #tpu.memory_space<semaphore_mem>>
      %dma_start3A = arith.constant 0 : i32
      %dma_start3A_21 = arith.constant 0 : i32
      %dma_start3A_22 = tpu.memref_slice %arg5[%add3A, %dma_start3A, %dma_start3A_21] : memref<32x40x128xi32, #tpu.memory_space<hbm>> -> memref<1x40x128xi32, #tpu.memory_space<hbm>>
      %dma_start3A_23 = tpu.memref_squeeze %dma_start3A_22 : memref<1x40x128xi32, #tpu.memory_space<hbm>> -> memref<40x128xi32, #tpu.memory_space<hbm>>
      %dma_start3A_24 = arith.constant 0 : i32
      %dma_start3A_25 = arith.constant 0 : i32
      %dma_start3A_26 = tpu.memref_slice %arg5[%add3A, %dma_start3A_24, %dma_start3A_25] : memref<32x40x128xi32, #tpu.memory_space<hbm>> -> memref<1x40x128xi32, #tpu.memory_space<hbm>>
      %dma_start3A_27 = tpu.memref_squeeze %dma_start3A_26 : memref<1x40x128xi32, #tpu.memory_space<hbm>> -> memref<40x128xi32, #tpu.memory_space<hbm>>
      tpu.enqueue_dma source(%dma_start3A_27 : memref<40x128xi32, #tpu.memory_space<hbm>>) target(%arg10 : memref<40x128xi32, #tpu.memory_space<vmem>>) target_semaphore(%run_scoped3A : memref<!tpu.dma_semaphore, #tpu.memory_space<semaphore_mem>>)
      %dma_wait3A = arith.constant 0 : i32
      %dma_wait3A_28 = arith.constant 0 : i32
      %dma_wait3A_29 = tpu.memref_slice %arg5[%add3A, %dma_wait3A, %dma_wait3A_28] : memref<32x40x128xi32, #tpu.memory_space<hbm>> -> memref<1x40x128xi32, #tpu.memory_space<hbm>>
      %dma_wait3A_30 = tpu.memref_squeeze %dma_wait3A_29 : memref<1x40x128xi32, #tpu.memory_space<hbm>> -> memref<40x128xi32, #tpu.memory_space<hbm>>
      %dma_wait3A_31 = arith.constant 0 : i32
      %dma_wait3A_32 = arith.constant 0 : i32
      %dma_wait3A_33 = tpu.memref_slice %arg5[%add3A, %dma_wait3A_31, %dma_wait3A_32] : memref<32x40x128xi32, #tpu.memory_space<hbm>> -> memref<1x40x128xi32, #tpu.memory_space<hbm>>
      %dma_wait3A_34 = tpu.memref_squeeze %dma_wait3A_33 : memref<1x40x128xi32, #tpu.memory_space<hbm>> -> memref<40x128xi32, #tpu.memory_space<hbm>>
      tpu.wait_dma2 semaphore(%run_scoped3A : memref<!tpu.dma_semaphore, #tpu.memory_space<semaphore_mem>>) src(%dma_wait3A_34 : memref<40x128xi32, #tpu.memory_space<hbm>>) dst(%arg10 : memref<40x128xi32, #tpu.memory_space<vmem>>)
      tpu.yield
    }) : () -> ()
    %barrier3A = arith.constant 0 : index
    tpu.barrier barrier_id(%barrier3A)
    %scan3A = arith.constant 0 : i32
    %scan3A_5 = arith.constant 0 : i32
    %scan3A_6 = arith.constant 40 : i32
    %scan3A_7 = arith.addi %scan3A_5, %scan3A_6 : i32
    %scan3A_8 = arith.constant 1 : i32
    scf.for %scan3A_21 = %scan3A_5 to %scan3A_7 step %scan3A_8  : i32 {
      "tpu.region"() ({
        %run_scoped3A = tpu.sem_alloc : memref<!tpu.dma_semaphore, #tpu.memory_space<semaphore_mem>>
        %dma_start3A = arith.constant 0 : i32
        %dma_start3A_22 = tpu.memref_slice %arg8[%scan3A_21, %dma_start3A] : memref<40x128xi32, #tpu.memory_space<vmem>> -> memref<1x128xi32, #tpu.memory_space<vmem>>
        %dma_start3A_23 = tpu.memref_squeeze %dma_start3A_22 : memref<1x128xi32, #tpu.memory_space<vmem>> -> memref<128xi32, #tpu.memory_space<vmem>>
        %dma_start3A_24 = arith.constant 0 : i32
        %dma_start3A_25 = arith.constant 0 : i32
        %dma_start3A_26 = tpu.memref_slice %arg2[%dma_start3A_24, %dma_start3A_25] : memref<10240x128xf32, #tpu.memory_space<hbm>> -> memref<10240x128xf32, #tpu.memory_space<hbm>>
        tpu.enqueue_indirect_dma source(%dma_start3A_26 : memref<10240x128xf32, #tpu.memory_space<hbm>>) target(%arg11 : memref<128x128xf32, #tpu.memory_space<vmem>>) offsets(%dma_start3A_23 : memref<128xi32, #tpu.memory_space<vmem>>) semaphore(%run_scoped3A : memref<!tpu.dma_semaphore, #tpu.memory_space<semaphore_mem>>)
        %dma_wait3A = arith.constant 0 : i32
        %dma_wait3A_27 = tpu.memref_slice %arg8[%scan3A_21, %dma_wait3A] : memref<40x128xi32, #tpu.memory_space<vmem>> -> memref<1x128xi32, #tpu.memory_space<vmem>>
        %dma_wait3A_28 = tpu.memref_squeeze %dma_wait3A_27 : memref<1x128xi32, #tpu.memory_space<vmem>> -> memref<128xi32, #tpu.memory_space<vmem>>
        %dma_wait3A_29 = arith.constant 0 : i32
        %dma_wait3A_30 = arith.constant 0 : i32
        %dma_wait3A_31 = tpu.memref_slice %arg2[%dma_wait3A_29, %dma_wait3A_30] : memref<10240x128xf32, #tpu.memory_space<hbm>> -> memref<10240x128xf32, #tpu.memory_space<hbm>>
        tpu.wait_indirect_dma semaphore(%run_scoped3A : memref<!tpu.dma_semaphore, #tpu.memory_space<semaphore_mem>>) src(%dma_wait3A_31 : memref<10240x128xf32, #tpu.memory_space<hbm>>) dst(%arg11 : memref<128x128xf32, #tpu.memory_space<vmem>>)
        tpu.yield
      }) : () -> ()
      "tpu.region"() ({
        %run_scoped3A = tpu.sem_alloc : memref<!tpu.dma_semaphore, #tpu.memory_space<semaphore_mem>>
        %dma_start3A = arith.constant 0 : i32
        %dma_start3A_22 = tpu.memref_slice %arg10[%scan3A_21, %dma_start3A] : memref<40x128xi32, #tpu.memory_space<vmem>> -> memref<1x128xi32, #tpu.memory_space<vmem>>
        %dma_start3A_23 = tpu.memref_squeeze %dma_start3A_22 : memref<1x128xi32, #tpu.memory_space<vmem>> -> memref<128xi32, #tpu.memory_space<vmem>>
        %dma_start3A_24 = arith.constant 0 : i32
        %dma_start3A_25 = arith.constant 0 : i32
        %dma_start3A_26 = tpu.memref_slice %arg13[%dma_start3A_24, %dma_start3A_25] : memref<10112x128xf32, #tpu.memory_space<vmem_shared>> -> memref<10112x128xf32, #tpu.memory_space<vmem_shared>>
        tpu.enqueue_indirect_dma source(%arg11 : memref<128x128xf32, #tpu.memory_space<vmem>>) target(%dma_start3A_26 : memref<10112x128xf32, #tpu.memory_space<vmem_shared>>) offsets(%dma_start3A_23 : memref<128xi32, #tpu.memory_space<vmem>>) semaphore(%run_scoped3A : memref<!tpu.dma_semaphore, #tpu.memory_space<semaphore_mem>>) {add = true}
        %dma_wait3A = arith.constant 0 : i32
        %dma_wait3A_27 = tpu.memref_slice %arg10[%scan3A_21, %dma_wait3A] : memref<40x128xi32, #tpu.memory_space<vmem>> -> memref<1x128xi32, #tpu.memory_space<vmem>>
        %dma_wait3A_28 = tpu.memref_squeeze %dma_wait3A_27 : memref<1x128xi32, #tpu.memory_space<vmem>> -> memref<128xi32, #tpu.memory_space<vmem>>
        %dma_wait3A_29 = arith.constant 0 : i32
        %dma_wait3A_30 = arith.constant 0 : i32
        %dma_wait3A_31 = tpu.memref_slice %arg13[%dma_wait3A_29, %dma_wait3A_30] : memref<10112x128xf32, #tpu.memory_space<vmem_shared>> -> memref<10112x128xf32, #tpu.memory_space<vmem_shared>>
        tpu.wait_indirect_dma semaphore(%run_scoped3A : memref<!tpu.dma_semaphore, #tpu.memory_space<semaphore_mem>>) src(%arg11 : memref<128x128xf32, #tpu.memory_space<vmem>>) dst(%dma_wait3A_31 : memref<10112x128xf32, #tpu.memory_space<vmem_shared>>)
        tpu.yield
      }) : () -> ()
    }
    %scan3A_9 = arith.constant 40 : i32
    %scan3A_10 = arith.constant 0 : i32
    %scan3A_11 = arith.constant 0 : i32
    %scan3A_12 = arith.constant 40 : i32
    %scan3A_13 = arith.addi %scan3A_11, %scan3A_12 : i32
    %scan3A_14 = arith.constant 1 : i32
    scf.for %scan3A_21 = %scan3A_11 to %scan3A_13 step %scan3A_14  : i32 {
      "tpu.region"() ({
        %run_scoped3A = tpu.sem_alloc : memref<!tpu.dma_semaphore, #tpu.memory_space<semaphore_mem>>
        %dma_start3A = arith.constant 0 : i32
        %dma_start3A_22 = tpu.memref_slice %arg9[%scan3A_21, %dma_start3A] : memref<40x128xi32, #tpu.memory_space<vmem>> -> memref<1x128xi32, #tpu.memory_space<vmem>>
        %dma_start3A_23 = tpu.memref_squeeze %dma_start3A_22 : memref<1x128xi32, #tpu.memory_space<vmem>> -> memref<128xi32, #tpu.memory_space<vmem>>
        %dma_start3A_24 = arith.constant 0 : i32
        %dma_start3A_25 = arith.constant 0 : i32
        %dma_start3A_26 = tpu.memref_slice %arg12[%dma_start3A_24, %dma_start3A_25] : memref<208x128xf32, #tpu.memory_space<vmem_shared>> -> memref<208x128xf32, #tpu.memory_space<vmem_shared>>
        tpu.enqueue_indirect_dma source(%dma_start3A_26 : memref<208x128xf32, #tpu.memory_space<vmem_shared>>) target(%arg11 : memref<128x128xf32, #tpu.memory_space<vmem>>) offsets(%dma_start3A_23 : memref<128xi32, #tpu.memory_space<vmem>>) semaphore(%run_scoped3A : memref<!tpu.dma_semaphore, #tpu.memory_space<semaphore_mem>>)
        %dma_wait3A = arith.constant 0 : i32
        %dma_wait3A_27 = tpu.memref_slice %arg9[%scan3A_21, %dma_wait3A] : memref<40x128xi32, #tpu.memory_space<vmem>> -> memref<1x128xi32, #tpu.memory_space<vmem>>
        %dma_wait3A_28 = tpu.memref_squeeze %dma_wait3A_27 : memref<1x128xi32, #tpu.memory_space<vmem>> -> memref<128xi32, #tpu.memory_space<vmem>>
        %dma_wait3A_29 = arith.constant 0 : i32
        %dma_wait3A_30 = arith.constant 0 : i32
        %dma_wait3A_31 = tpu.memref_slice %arg12[%dma_wait3A_29, %dma_wait3A_30] : memref<208x128xf32, #tpu.memory_space<vmem_shared>> -> memref<208x128xf32, #tpu.memory_space<vmem_shared>>
        tpu.wait_indirect_dma semaphore(%run_scoped3A : memref<!tpu.dma_semaphore, #tpu.memory_space<semaphore_mem>>) src(%dma_wait3A_31 : memref<208x128xf32, #tpu.memory_space<vmem_shared>>) dst(%arg11 : memref<128x128xf32, #tpu.memory_space<vmem>>)
        tpu.yield
      }) : () -> ()
      "tpu.region"() ({
        %run_scoped3A = tpu.sem_alloc : memref<!tpu.dma_semaphore, #tpu.memory_space<semaphore_mem>>
        %dma_start3A = arith.constant 0 : i32
        %dma_start3A_22 = tpu.memref_slice %arg10[%scan3A_21, %dma_start3A] : memref<40x128xi32, #tpu.memory_space<vmem>> -> memref<1x128xi32, #tpu.memory_space<vmem>>
        %dma_start3A_23 = tpu.memref_squeeze %dma_start3A_22 : memref<1x128xi32, #tpu.memory_space<vmem>> -> memref<128xi32, #tpu.memory_space<vmem>>
        %dma_start3A_24 = arith.constant 0 : i32
        %dma_start3A_25 = arith.constant 0 : i32
        %dma_start3A_26 = tpu.memref_slice %arg13[%dma_start3A_24, %dma_start3A_25] : memref<10112x128xf32, #tpu.memory_space<vmem_shared>> -> memref<10112x128xf32, #tpu.memory_space<vmem_shared>>
        tpu.enqueue_indirect_dma source(%arg11 : memref<128x128xf32, #tpu.memory_space<vmem>>) target(%dma_start3A_26 : memref<10112x128xf32, #tpu.memory_space<vmem_shared>>) offsets(%dma_start3A_23 : memref<128xi32, #tpu.memory_space<vmem>>) semaphore(%run_scoped3A : memref<!tpu.dma_semaphore, #tpu.memory_space<semaphore_mem>>) {add = true}
        %dma_wait3A = arith.constant 0 : i32
        %dma_wait3A_27 = tpu.memref_slice %arg10[%scan3A_21, %dma_wait3A] : memref<40x128xi32, #tpu.memory_space<vmem>> -> memref<1x128xi32, #tpu.memory_space<vmem>>
        %dma_wait3A_28 = tpu.memref_squeeze %dma_wait3A_27 : memref<1x128xi32, #tpu.memory_space<vmem>> -> memref<128xi32, #tpu.memory_space<vmem>>
        %dma_wait3A_29 = arith.constant 0 : i32
        %dma_wait3A_30 = arith.constant 0 : i32
        %dma_wait3A_31 = tpu.memref_slice %arg13[%dma_wait3A_29, %dma_wait3A_30] : memref<10112x128xf32, #tpu.memory_space<vmem_shared>> -> memref<10112x128xf32, #tpu.memory_space<vmem_shared>>
        tpu.wait_indirect_dma semaphore(%run_scoped3A : memref<!tpu.dma_semaphore, #tpu.memory_space<semaphore_mem>>) src(%arg11 : memref<128x128xf32, #tpu.memory_space<vmem>>) dst(%dma_wait3A_31 : memref<10112x128xf32, #tpu.memory_space<vmem_shared>>)
        tpu.yield
      }) : () -> ()
    }
    %scan3A_15 = arith.constant 40 : i32
    %barrier3A_16 = arith.constant 0 : index
    tpu.barrier barrier_id(%barrier3A_16)
    %mul3A_17 = arith.constant 632 : i32
    %mul3A_18 = arith.muli %arg1, %mul3A_17 : i32
    %mul3A_19 = arith.constant 632 : i32
    %mul3A_20 = arith.muli %arg1, %mul3A_19 : i32
    "tpu.region"() ({
      %run_scoped3A = tpu.sem_alloc : memref<!tpu.dma_semaphore, #tpu.memory_space<semaphore_mem>>
      %dma_start3A = arith.constant 0 : i32
      %dma_start3A_21 = tpu.memref_slice %arg7[%arg0, %mul3A_20, %dma_start3A] : memref<2x10112x128xf32, #tpu.memory_space<hbm>> -> memref<1x632x128xf32, #tpu.memory_space<hbm>>
      %dma_start3A_22 = tpu.memref_squeeze %dma_start3A_21 : memref<1x632x128xf32, #tpu.memory_space<hbm>> -> memref<632x128xf32, #tpu.memory_space<hbm>>
      %dma_start3A_23 = arith.constant 0 : i32
      %dma_start3A_24 = tpu.memref_slice %arg13[%mul3A_18, %dma_start3A_23] : memref<10112x128xf32, #tpu.memory_space<vmem_shared>> -> memref<632x128xf32, #tpu.memory_space<vmem_shared>>
      tpu.enqueue_dma source(%dma_start3A_24 : memref<632x128xf32, #tpu.memory_space<vmem_shared>>) target(%dma_start3A_22 : memref<632x128xf32, #tpu.memory_space<hbm>>) target_semaphore(%run_scoped3A : memref<!tpu.dma_semaphore, #tpu.memory_space<semaphore_mem>>)
      %dma_wait3A = arith.constant 0 : i32
      %dma_wait3A_25 = tpu.memref_slice %arg7[%arg0, %mul3A_20, %dma_wait3A] : memref<2x10112x128xf32, #tpu.memory_space<hbm>> -> memref<1x632x128xf32, #tpu.memory_space<hbm>>
      %dma_wait3A_26 = tpu.memref_squeeze %dma_wait3A_25 : memref<1x632x128xf32, #tpu.memory_space<hbm>> -> memref<632x128xf32, #tpu.memory_space<hbm>>
      %dma_wait3A_27 = arith.constant 0 : i32
      %dma_wait3A_28 = tpu.memref_slice %arg13[%mul3A_18, %dma_wait3A_27] : memref<10112x128xf32, #tpu.memory_space<vmem_shared>> -> memref<632x128xf32, #tpu.memory_space<vmem_shared>>
      tpu.wait_dma2 semaphore(%run_scoped3A : memref<!tpu.dma_semaphore, #tpu.memory_space<semaphore_mem>>) src(%dma_wait3A_28 : memref<632x128xf32, #tpu.memory_space<vmem_shared>>) dst(%dma_wait3A_26 : memref<632x128xf32, #tpu.memory_space<hbm>>)
      tpu.yield
    }) : () -> ()
    return
  }
}

module attributes {stable_mosaic.version = 14 : i64} {
  func.func @_matmul_body(%arg0: i32, %arg1: memref<512x128xf32, #tpu.memory_space<vmem>>, %arg2: memref<128x128xf32, #tpu.memory_space<vmem>>, %arg3: memref<512x128xf32, #tpu.memory_space<vmem>>) attributes {dimension_semantics = [#tpu.dimension_semantics<arbitrary>], iteration_bounds = array<i64: 20>, scalar_prefetch = 0 : i64, scratch_operands = 0 : i64, tpu.core_type = #tpu.core_type<tc>, window_params = [{transform_indices = @transform_0, window_bounds = array<i64: 512, 128>}, {pipeline_mode = #tpu.pipeline_mode<synchronous>, transform_indices = @transform_1, window_bounds = array<i64: 128, 128>}, {transform_indices = @transform_2, window_bounds = array<i64: 512, 128>}]} {
    %get3A = arith.constant 0 : index
    %get3A_0 = arith.constant 0 : index
    %get3A_1 = vector.load %arg1[%get3A, %get3A_0] : memref<512x128xf32, #tpu.memory_space<vmem>>, vector<512x128xf32>
    %get3A_2 = arith.constant 0 : index
    %get3A_3 = arith.constant 0 : index
    %get3A_4 = vector.load %arg2[%get3A_2, %get3A_3] : memref<128x128xf32, #tpu.memory_space<vmem>>, vector<128x128xf32>
    %dot_general3A = arith.constant dense<0.000000e+00> : vector<512x128xf32>
    %dot_general3A_5 = tpu.matmul %get3A_1, %get3A_4, %dot_general3A {dimension_numbers = #tpu.dot_dimension_numbers<[1], [0], [0], [1], [0, 0, 1, 1], [], []>, transpose_lhs_hint = false} : vector<512x128xf32>, vector<128x128xf32>, vector<512x128xf32> -> vector<512x128xf32>
    %swap3A = arith.constant 0 : index
    %swap3A_6 = arith.constant 0 : index
    %swap3A_7 = vector.load %arg3[%swap3A, %swap3A_6] : memref<512x128xf32, #tpu.memory_space<vmem>>, vector<512x128xf32>
    tpu.vector_store %arg3[%swap3A, %swap3A_6], %dot_general3A_5 {strides = array<i32>} : memref<512x128xf32, #tpu.memory_space<vmem>>, vector<512x128xf32>,
    return
  }
  func.func @transform_0(%arg0: i32) -> (i32, i32) {
    %c0_i32 = arith.constant 0 : i32
    %c0_i32_0 = arith.constant 0 : i32
    return %arg0, %c0_i32 : i32, i32
  }
  func.func @transform_1(%arg0: i32) -> (i32, i32) {
    %c0_i32 = arith.constant 0 : i32
    %c0_i32_0 = arith.constant 0 : i32
    %c0_i32_1 = arith.constant 0 : i32
    return %c0_i32, %c0_i32_0 : i32, i32
  }
  func.func @transform_2(%arg0: i32) -> (i32, i32) {
    %c0_i32 = arith.constant 0 : i32
    %c0_i32_0 = arith.constant 0 : i32
    return %arg0, %c0_i32 : i32, i32
  }
}

module attributes {stable_mosaic.version = 14 : i64} {
  func.func @_combine_body(%arg0: i32, %arg1: memref<1x1000x128xf32, #tpu.memory_space<vmem>>, %arg2: memref<1x1000x128xf32, #tpu.memory_space<vmem>>, %arg3: memref<1000x128xf32, #tpu.memory_space<vmem>>) attributes {dimension_semantics = [#tpu.dimension_semantics<arbitrary>], iteration_bounds = array<i64: 10>, scalar_prefetch = 0 : i64, scratch_operands = 0 : i64, tpu.core_type = #tpu.core_type<tc>, window_params = [{transform_indices = @transform_0, window_bounds = array<i64: 1, 1000, 128>}, {transform_indices = @transform_1, window_bounds = array<i64: 1, 1000, 128>}, {transform_indices = @transform_2, window_bounds = array<i64: 1000, 128>}]} {
    %get3A = arith.constant 0 : index
    %get3A_0 = arith.constant 0 : index
    %get3A_1 = arith.constant 0 : index
    %get3A_2 = vector.load %arg1[%get3A, %get3A_0, %get3A_1] : memref<1x1000x128xf32, #tpu.memory_space<vmem>>, vector<1x1000x128xf32>
    %get3A_3 = vector.shape_cast %get3A_2 : vector<1x1000x128xf32> to vector<1000x128xf32>
    %get3A_4 = arith.constant 0 : index
    %get3A_5 = arith.constant 0 : index
    %get3A_6 = arith.constant 0 : index
    %get3A_7 = vector.load %arg2[%get3A_4, %get3A_5, %get3A_6] : memref<1x1000x128xf32, #tpu.memory_space<vmem>>, vector<1x1000x128xf32>
    %get3A_8 = vector.shape_cast %get3A_7 : vector<1x1000x128xf32> to vector<1000x128xf32>
    %add3A = arith.addf %get3A_3, %get3A_8 : vector<1000x128xf32>
    %max3A = arith.constant 0.000000e+00 : f32
    %max3A_9 = vector.broadcast %max3A : f32 to vector<1000x128xf32>
    %max3A_10 = arith.maximumf %add3A, %max3A_9 : vector<1000x128xf32>
    %swap3A = arith.constant 0 : index
    %swap3A_11 = arith.constant 0 : index
    %swap3A_12 = vector.load %arg3[%swap3A, %swap3A_11] : memref<1000x128xf32, #tpu.memory_space<vmem>>, vector<1000x128xf32>
    tpu.vector_store %arg3[%swap3A, %swap3A_11], %max3A_10 {strides = array<i32>} : memref<1000x128xf32, #tpu.memory_space<vmem>>, vector<1000x128xf32>,
    return
  }
  func.func @transform_0(%arg0: i32) -> (i32, i32, i32) {
    %c0_i32 = arith.constant 0 : i32
    %c0_i32_0 = arith.constant 0 : i32
    %c0_i32_1 = arith.constant 0 : i32
    return %c0_i32, %arg0, %c0_i32_0 : i32, i32, i32
  }
  func.func @transform_1(%arg0: i32) -> (i32, i32, i32) {
    %c1_i32 = arith.constant 1 : i32
    %c0_i32 = arith.constant 0 : i32
    %c0_i32_0 = arith.constant 0 : i32
    return %c1_i32, %arg0, %c0_i32 : i32, i32, i32
  }
  func.func @transform_2(%arg0: i32) -> (i32, i32) {
    %c0_i32 = arith.constant 0 : i32
    %c0_i32_0 = arith.constant 0 : i32
    return %arg0, %c0_i32 : i32, i32
  }
}

</mosaic_0001>

<sc_bundles>
// kernel: kernel.5.cloned.1.call-start
scs
__scs_entry_jumppad:
0x0: {  	(pc) =	sbr.rel $0x88, $3  }
0x1: {  	(tag) =	ssettag $0x0;
	lr =	simm.s32 $0x1  }
0x2: {  	[smem:$0x3F9C] =	sst lr;
	_ =	strace $0xD0000000  }
0x3: {  	_ = 	snop  }
0x4: {  	_ = 	snop  }
0x5: {  	_ = 	snop  }
0x6: {  	_ = 	snop  }
0x7: {  	_ = 	snop  }
__scs_overlays_trampoline_lowered:
0x8: {  	[smem:$0x3FAB] =	sst s0  }
0x9: {  	[smem:$0x3FAC] =	sst s1  }
0xa: {  	[smem:$0x3FAD] =	sst s2  }
0xb: {  	[smem:$0x3FAE] =	sst s3  }
0xc: {  	[smem:$0x3FAF] =	sst s4  }
0xd: {  	[smem:$0x3FB0] =	sst s5  }
0xe: {  	[smem:$0x3FB1] =	sst s6  }
0xf: {  	[smem:$0x3FB2] =	sst s7  }
0x10: {  	[smem:$0x3FB3] =	sst s8  }
0x11: {  	[smem:$0x3FB4] =	sst s9;
	s0 =	simm.s32 @!p0 $0x0  }
0x12: {  	s1 =	sld [smem:$0x3F9A];
	s0 =	simm.s32 @p0 $0x1  }
0x13: {  	[smem:$0x3FB5] =	sst s0;
	s0 =	simm.s32 @!p1 $0x0  }
0x14: {  	s2 =	sld [smem:$0x3F99];
	s0 =	simm.s32 @p1 $0x1  }
0x15: {  	[smem:$0x3FB6] =	sst s0;
	s0 =	simm.s32 @!p2 $0x0  }
0x16: {  	s3 =	sld [smem:$0x3FDB];
	s0 =	simm.s32 @p2 $0x1  }
0x17: {  	s4 =	simm.s32 $0x1BF5;
	[smem:$0x3FB8] =	sst s0  }
0x18: {  	s0 =	sld [smem:$0x3F9B];
	_ =	swait.ge [sflag:s4], $0x0  }
0x19: {  	s7 =	sld [smem:$0x3F9C]  }
0x1a: {  	s8 =	sadd.s32 $0xFFFFE003, lr  }
0x1b: {  	s9 =	sadd.s32 $0xFFFFFEF7, lr;
	s5 =	simm.s32 $0xFFFFFFFF;
	p2 =	slt.u32 s8, $0xFFFFF086  }
0x1c: {  	p1 =	slt.u32 s9, $0xF7A;
	s5 =	simm.s32 @!p2 $0x0  }
0x1d: {  	s5 =	simm.s32 @p1 $0x1;
	p0 =	seq.s32 s7, s2  }
0x1e: {  	s7 =	smul.u32 @!p0 $0xF7A, s2;
	p2 =	seq.s32 @!p0 s5, $0x0  }
0x1f: {  	s9 =	smul.u32 $0xF7A, s1;
	s8 =	simm.s32 @!p0 $0x1BF5;
	p2 =	por !p2, p0  }
0x20: {  	[sflag:s8] =	ssyncset.s32 @!p0 $0xFFFFF086;
	s6 =	sadd.s32 @!p0 s3, s7;
	s7 =	simm.s32 @!p0 $0x108  }
0x21: {  	s3 =	sadd.s32 s3, s9;
	s6 =	sadd.s32 @!p0 $0x88, s6;
	s7 =	simm.s32 @p2 $0x1082  }
0x22: {  	[simem:s7], [sflag:s8] =	dma.local @!p0 [hbm:s6], $0xF7A  }
0x23: {  	s9 =	sor.u32 $0xD0000000, s2;
	s6 =	simm.s32 $0x108;
	_ =	swait.ge @!p0 [sflag:s8], $0x0  }
0x24: {  	s3 =	sadd.s32 $0x88, s3;
	s6 =	simm.s32 @!p1 $0x1082;
	[sflag:s4] =	ssyncset.s32 $0xFFFFF086  }
0x25: {  	[simem:s6], [sflag:s4] =	dma.local [hbm:s3], $0xF7A  }
0x26: {  	[smem:$0x3F9C] =	sst s1;
	(tag) =	ssettag s2;
	_ =	strace s9  }
0x27: {  	s1 =	sld [smem:$0x3FAC]  }
0x28: {  	s2 =	sld [smem:$0x3FAD]  }
0x29: {  	s4 =	sld [smem:$0x3FAF]  }
0x2a: {  	p0 =	seq.s32 s5, $0x0;
	s5 =	sld [smem:$0x3FB0]  }
0x2b: {  	s6 =	sld [smem:$0x3FB1]  }
0x2c: {  	s7 =	sld [smem:$0x3FB2]  }
0x2d: {  	s3 =	simm.s32 $0x108;
	s8 =	sld [smem:$0x3FB3]  }
0x2e: {  	s3 =	simm.s32 @!p0 $0x1082;
	s9 =	sld [smem:$0x3FB4]  }
0x2f: {  	lr =	sadd.s32 s0, s3;
	s0 =	sld [smem:$0x3FAB]  }
0x30: {  	s3 =	sld [smem:$0x3FAE]  }
0x31: {  	[smem:$0x3FB7] =	sst s10  }
0x32: {  	s10 =	sld [smem:$0x3FB5];
	_ =	sdelay $0x3  }
0x33: {  	p0 =	seq.s32 s10, $0x1;
	s10 =	sld [smem:$0x3FB7];
	_ =	sdelay $0x3  }
0x34: {  	[smem:$0x3FB7] =	sst s10  }
0x35: {  	s10 =	sld [smem:$0x3FB6];
	_ =	sdelay $0x3  }
0x36: {  	p1 =	seq.s32 s10, $0x1;
	s10 =	sld [smem:$0x3FB7];
	_ =	sdelay $0x3  }
0x37: {  	[smem:$0x3FB7] =	sst s10  }
0x38: {  	s10 =	sld [smem:$0x3FB8]  }
0x39: {  	_ = 	snop;
	(pc) =	sbr.ind lr, $3  }
0x3a: {  	_ = 	snop  }
0x3b: {  	_ = 	snop  }
0x3c: {  	p2 =	seq.s32 s10, $0x1;
	s10 =	sld [smem:$0x3FB7]  }
0x3d: {  	_ =	shalt  }
0x3e: {  	_ =	shalt  }
0x3f: {  	_ =	shalt  }
0x40: {  	_ =	shalt  }
0x41: {  	_ =	shalt  }
0x42: {  	_ =	shalt  }
0x43: {  	_ =	shalt  }
0x44: {  	_ =	shalt  }
0x45: {  	_ =	shalt  }
0x46: {  	_ =	shalt  }
0x47: {  	_ =	shalt  }
0x48: {  	_ =	shalt  }
0x49: {  	_ =	shalt  }
0x4a: {  	_ =	shalt  }
0x4b: {  	_ =	shalt  }
0x4c: {  	_ =	shalt  }
0x4d: {  	_ =	shalt  }
0x4e: {  	_ =	shalt  }
0x4f: {  	_ =	shalt  }
0x50: {  	_ =	shalt  }
0x51: {  	_ =	shalt  }
0x52: {  	_ =	shalt  }
0x53: {  	_ =	shalt  }
0x54: {  	_ =	shalt  }
0x55: {  	_ =	shalt  }
0x56: {  	_ =	shalt  }
0x57: {  	_ =	shalt  }
0x58: {  	_ =	shalt  }
0x59: {  	_ =	shalt  }
0x5a: {  	_ =	shalt  }
0x5b: {  	_ =	shalt  }
0x5c: {  	_ =	shalt  }
0x5d: {  	_ =	shalt  }
0x5e: {  	_ =	shalt  }
0x5f: {  	_ =	shalt  }
0x60: {  	_ =	shalt  }
0x61: {  	_ =	shalt  }
0x62: {  	_ =	shalt  }
0x63: {  	_ =	shalt  }
0x64: {  	_ =	shalt  }
0x65: {  	_ =	shalt  }
0x66: {  	_ =	shalt  }
0x67: {  	_ =	shalt  }
0x68: {  	_ =	shalt  }
0x69: {  	_ =	shalt  }
0x6a: {  	_ =	shalt  }
0x6b: {  	_ =	shalt  }
0x6c: {  	_ =	shalt  }
0x6d: {  	_ =	shalt  }
0x6e: {  	_ =	shalt  }
0x6f: {  	_ =	shalt  }
0x70: {  	_ =	shalt  }
0x71: {  	_ =	shalt  }
0x72: {  	_ =	shalt  }
0x73: {  	_ =	shalt  }
0x74: {  	_ =	shalt  }
0x75: {  	_ =	shalt  }
0x76: {  	_ =	shalt  }
0x77: {  	_ =	shalt  }
0x78: {  	_ =	shalt  }
0x79: {  	_ =	shalt  }
0x7a: {  	_ =	shalt  }
0x7b: {  	_ =	shalt  }
0x7c: {  	_ =	shalt  }
0x7d: {  	_ =	shalt  }
0x7e: {  	_ =	shalt  }
0x7f: {  	_ =	shalt  }
0x80: {  	_ =	shalt  }
0x81: {  	_ =	shalt  }
0x82: {  	_ =	shalt  }
0x83: {  	_ =	shalt  }
0x84: {  	_ =	shalt  }
0x85: {  	_ =	shalt  }
0x86: {  	_ =	shalt  }
0x87: {  	_ =	shalt  }
.Lfunc_end0:
.L_simem_size_0:
called_computation_lowered:
.L_overlay_start_0:
0x88: {  	s2 =	sld [smem:$0x3FD9]  }
0x89: {  	s3 =	sld [smem:$0x3FFE];
	_ =	sdelay $0x1  }
0x8a: {  	s1 =	srdreg.scid  }
0x8b: {  	s0 =	sand.u32 $0x1, s1  }
0x8c: {  	s17 =	sshll.u32 s0, $0xA;
	s2 =	sadd.s32 s3, s2  }
0x8d: {  	s2 =	sadd.s32 s2, s17  }
0x8e: {  	[smem:$0x3FC3] =	sst s2  }
0x8f: {  	_ = 	snop  }
0x90: {  	s2 =	sld [smem:$0x3FD0];
	(tm) =	ssettm $0x1  }
0x91: {  	s18 =	sld [smem:$0x3FFB];
	_ =	sdelay $0x3  }
0x92: {  	_ =	strace s18  }
0x93: {  	s3 =	sld [smem:$0x3FFC];
	_ =	sdelay $0x3  }
0x94: {  	_ =	strace s3  }
0x95: {  	s3 =	sld [smem:$0x3FFD];
	_ =	sdelay $0x3  }
0x96: {  	_ =	strace s3  }
0x97: {  	_ =	strace $0x8FFFFFFF  }
0x98: {  	s19 =	sld [smem:$0x3FDB];
	_ =	sdelay $0x1  }
0x99: {  	s4 =	simm.s32 $_scs_section_size  }
0x9a: {  	s5 =	simm.s32 $_size__tile_overlayer_lowered;
	s6 =	simm.s32 $_tile_overlayer_lowered  }
0x9b: {  	s22 =	simm.s32 $0x1BFF;
	s21 =	sshll.u32 s6, $0x1;
	s3 =	sadd.s32 s4, s19  }
0x9c: {  	s7 =	simm.s32 $0x0;
	s20 =	sshll.u32 s5, $0x1;
	s5 =	sadd.s32 s21, s3  }
0x9d: {  	[timem:s7], [sflag:s22] =	dma.local [hbm:s5], s20  }
0x9e: {  	_ =	swait.ge [sflag:s22], s20  }
0x9f: {  	s4 =	ssub.s32 $0x0, s20;
	[sflag:s22] =	ssyncset.done $0x0  }
0xa0: {  	[sflag:s22] =	ssyncadd.s32 s4;
	_ =	sdelay $0x1  }
0xa1: {  	s23 =	simm.s32 $0x1B8B  }
0xa2: {  	_ =	swait.ge [sflag:s23], $0x1  }
0xa3: {  	[sflag:s23] =	ssyncset.done $0x0  }
0xa4: {  	s25 =	simm.s32 $0x1B8E;
	s24 =	sld [smem:$0x3FFE];
	[sflag:s23] =	ssyncadd.s32 $0xFFFFFFFF  }
0xa5: {  	s26 =	simm.s32 $execute0_lowered;
	[smem:$0x3FD2] =	sst s25  }
0xa6: {  	s5 =	sshll.u32 s26, $0x1;
	_ =	strace $0x80000046;
	[dreg:$0x1] =	wrdreg $0xFFFFFFFF  }
0xa7: {  	s28 =	simm.s32 $_size_execute0_lowered;
	s3 =	sadd.s32 s3, s5;
	[dreg:$0x0] =	wrdreg $0x0  }
0xa8: {  	s5 =	sshll.u32 s28, $0x1;
	[dreg:$0x2] =	wrdreg s3  }
0xa9: {  	[dreg:$0x3] =	wrdreg s5  }
0xaa: {  	[dreg:$0x4] =	wrdreg $0xC0  }
0xab: {  	_ =	task [dreg:s7], $0x5FFFF  }
0xac: {  	[dreg:$0x1] =	wrdreg $0xFFFFFFFF  }
0xad: {  	[dreg:$0x0] =	wrdreg $0x60  }
0xae: {  	[dreg:$0x2] =	wrdreg s24  }
0xaf: {  	[dreg:$0x3] =	wrdreg s2  }
0xb0: {  	[dreg:$0x4] =	wrdreg $0x7C000  }
0xb1: {  	[dreg:$0x5] =	wrdreg $0x82800  }
0xb2: {  	[dreg:$0x6] =	wrdreg $0x9  }
0xb3: {  	_ =	task.clear_ibuf [dreg:s7], $0x7FFFF;
	_ =	strace $0x90000046  }
0xb4: {  	s29 =	simm.s32 $0x9;
	_ =	strace $0x80000048  }
0xb5: {  	_ =	swait.ge [sflag:s29], $0x1  }
0xb6: {  	[sflag:s29] =	ssyncadd.s32 $0xFFFFFFFF  }
0xb7: {  	_ =	strace $0x90000048  }
0xb8: {  	_ =	sfence  }
0xb9: {  	s30 =	sld [smem:$0x0];
	_ =	sdelay $0x2  }
0xba: {  	s31 =	sshll.u32 s1, $0xD;
	s1 =	sshrl.u32 s1, $0x2  }
0xbb: {  	s3 =	sand.u32 $0x4000, s31;
	s1 =	sadd.s32 s1, s30  }
0xbc: {  	s0 =	sor.u32 s3, s0;
	s1 =	sshll.u32 s1, $0x11  }
0xbd: {  	s0 =	sor.u32 s1, s0  }
0xbe: {  	s0 =	sadd.s32 $0x8F2B, s0  }
0xbf: {  	[sflag:s0] =	ssyncadd.remote.s32 $0x1  }
0xc0: {  	_ =	sfence.sel $0xFFFF  }
0xc1: {  	[dreg:$0x0] =	wrdreg $0xFFFFFFFF;
	(pc) =	sbr.abs _section_cstart, $3  }
0xc2: {  	[dreg:$0x1] =	wrdreg $0xFFFFFFFF  }
0xc3: {  	_ =	task.clear_ibuf [dreg:s7], $0x2FFFF;
	_ =	strace $0x9FFFFFFF  }
0xc4: {  	(tm) =	ssettm $0x7FFFFFFF  }
0xc5: {  	_ =	shalt  }
tec
execute0_lowered:
.L_overlay_start_1:
0x0: {  	(tag) =	ssettag $0x1  }
0x1: {  	s7 =	rddreg [dreg:$0x0]  }
0x2: {  	s8 =	rddreg [dreg:$0x1]  }
0x3: {  	s1 =	rddreg [dreg:$0x2];
	s0 =	srdreg.scid  }
0x4: {  	s2 =	rddreg [dreg:$0x3];
	s13 =	stileid.u32  }
0x5: {  	s3 =	simm.s32 $0x0;
	s18 =	simm.s32 $0x80;
	s19 =	simm.s32 $0x3C00  }
0x6: {  	s20 =	simm.s32 $0x0;
	s6 =	sand.u32 $0x1, s0;
	s0 =	rddreg [dreg:$0x4]  }
0x7: {  	s4 =	sshll.u32 s13, $0x1;
	s9 =	smul.u32 $0x13C00, s13;
	[smem:$0x7FF] =	sst s3  }
0x8: {  	s12 =	smul.u32 $0x4F000, s13;
	s15 =	sshll.u32 s13, $0x6;
	p0 =	sne.s32 s13, $0x0  }
0x9: {  	s5 =	smul.u32 $0x13C000, s6;
	s4 =	sor.u32 s6, s4;
	_ =	strace $0x80000047  }
0xa: {  	s6 =	ssub.s32 $0x2, s6;
	s10 =	smul.u32 $0x280, s4;
	s4 =	sadd.s32 $0xAC00, s7  }
0xb: {  	s31 =	sshrl.u32 s6, $0x1;
	s12 =	sshrl.u32 s12, $0x2;
	s5 =	sadd.s32 s9, s5  }
0xc: {  	s16 =	ssub.s32 s6, s31;
	s17 =	sadd.s32 s12, s2;
	s6 =	sor.u32 $0x1C01, s15  }
0xd: {  	s15 =	sshrl.u32 @!p0 s1, $0x3;
	s11 =	sadd.s32 s10, s7;
	s9 =	sshrl.u32 s5, $0x3  }
0xe: {  	s5 =	sadd.s32 $0x32C00, s7;
	s8 =	sadd.s32 s8, s10;
	s12 =	smax.u32 s16, $0x1  }
0xf: {  	s13 =	sshrl.u32 s17, $0x3;
	s16 =	simm.s32 $0x1400;
	s17 =	simm.s32 $0x2800  }
0x10: {  	s14 =	sadd.s32 s9, s7;
	s7 =	sadd.s32 $0x31D00, s7;
	s9 =	sadd.s32 $0xC00, s11  }
0x11: {  	s10 =	sadd.s32 $0x5C00, s11;
	s11 =	sadd.s32 $0x35400, s14;
	s14 =	simm.s32 $0x1  }
.LBB2_1:
0x12: {  	[spmem:s13], [sflag:s6] =	dma.local [hbm:s5], $0x2780  }
0x13: {  	_ =	swait.ge [sflag:s14], $0x2780  }
0x14: {  	[sflag:s14] =	ssyncset.done $0x0  }
0x15: {  	s21 =	simm.s32 @!p0 $0x1;
	[sflag:s14] =	ssyncadd.s32 $0xFFFFD880  }
0x16: {  	[spmem:s15], [sflag:s6] =	dma.local @!p0 [hbm:s7], $0xD00  }
0x17: {  	_ =	swait.ge @!p0 [sflag:s21], $0xD00  }
0x18: {  	[sflag:s21] =	ssyncset.done @!p0 $0x0  }
0x19: {  	[sflag:s21] =	ssyncadd.s32 @!p0 $0xFFFFF300  }
0x1a: {  	[tilespmem:s3], [sflag:$0x1] =	stream.linear.gather [hbm4b:s8+s3], $0x1400, $0x38;
	[tilespmem:$0x1BE80] =	vst v63  }
0x1b: {  	_ =	swait.ge [sflag:s14], $0x1400  }
0x1c: {  	[sflag:s14] =	ssyncset.done $0x0  }
0x1d: {  	[sflag:s14] =	ssyncadd.s32 $0xFFFFEC00  }
0x1e: {  	[tilespmem:s16], [sflag:$0x1] =	stream.linear.gather [hbm4b:s9+s3], $0x1400, $0x38;
	[tilespmem:$0x1BE80] =	vst v63  }
0x1f: {  	_ =	swait.ge [sflag:s14], $0x1400  }
0x20: {  	[sflag:s14] =	ssyncset.done $0x0  }
0x21: {  	[sflag:s14] =	ssyncadd.s32 $0xFFFFEC00  }
0x22: {  	[tilespmem:s17], [sflag:$0x1] =	stream.linear.gather [hbm4b:s10+s3], $0x1400, $0x38;
	[tilespmem:$0x1BE80] =	vst v63  }
0x23: {  	_ =	swait.ge [sflag:s14], $0x1400  }
0x24: {  	[sflag:s14] =	ssyncset.done $0x0  }
0x25: {  	[sflag:s14] =	ssyncadd.s32 $0xFFFFEC00  }
0x26: {  	s30 =	simm.s32 $0x0;
	[bflag:$0x0] =	sbarrier.arrive $0xFFFF  }
0x27: {  	[tilespmem:s19], [sflag:$0x1] =	stream.indirect.gather [hbm4b:s4+s18], $0x80, s30, s18, $0xb8;
	[tilespmem:$0x1BE80] =	vst v63  }
0x28: {  	_ =	swait.ge [sflag:s14], $0x4000  }
0x29: {  	[sflag:s14] =	ssyncset.done $0x0  }
0x2a: {  	s31 =	simm.s32 $0x2800;
	[sflag:s14] =	ssyncadd.s32 $0xFFFFC000  }
0x2b: {  	[spmem:s2] =	stream.indirect.scatter.add.f32 [tilespmem:s19], [sflag:$0x1], $0x80, s31, s18, $0xb8;
	[tilespmem:$0x1BE80] =	vst v63  }
0x2c: {  	_ =	swait.ge [sflag:s14], $0x4000  }
0x2d: {  	s22 =	simm.s32 $0x400;
	s21 =	simm.s32 $0x200;
	[sflag:s14] =	ssyncset.done $0x0  }
.LBB2_2:
0x2e: {  	s23 =	sshra.s32 s21, $0x2  }
0x2f: {  	[sflag:s14] =	ssyncadd.s32 $0xFFFFC000;
	s21 =	smov.u32 s22;
	s24 =	sadd.s32 $0x200, s22  }
0x30: {  	[tilespmem:s19], [sflag:$0x1] =	stream.indirect.gather [hbm4b:s4+s18], $0x80, s23, s18, $0xb8;
	[tilespmem:$0x1BE80] =	vst v63  }
0x31: {  	p1 =	sne.s32 s22, $0x4E00;
	_ =	swait.ge [sflag:s14], $0x4000  }
.Ltmp0:
0x32: {  	[sflag:s14] =	ssyncset.done $0x0;
	(pc) =	sbr.rel @p1 .LBB2_2-.Ltmp0, $4  }
0x33: {  	s22 =	sadd.s32 $0x2800, s23;
	[sflag:s14] =	ssyncadd.s32 $0xFFFFC000  }
0x34: {  	[spmem:s2] =	stream.indirect.scatter.add.f32 [tilespmem:s19], [sflag:$0x1], $0x80, s22, s18, $0xb8;
	[tilespmem:$0x1BE80] =	vst v63  }
0x35: {  	_ =	swait.ge [sflag:s14], $0x4000  }
0x36: {  	s22 =	smov.u32 s24;
	[sflag:s14] =	ssyncset.done $0x0  }
0x37: {  	s21 =	sshra.s32 s21, $0x2;
	[sflag:s14] =	ssyncadd.s32 $0xFFFFC000  }
0x38: {  	[tilespmem:s19], [sflag:$0x1] =	stream.indirect.gather [hbm4b:s4+s18], $0x80, s21, s18, $0xb8;
	[tilespmem:$0x1BE80] =	vst v63  }
0x39: {  	_ =	swait.ge [sflag:s14], $0x4000  }
0x3a: {  	[sflag:s14] =	ssyncset.done $0x0  }
0x3b: {  	s21 =	sadd.s32 $0x2800, s21;
	[sflag:s14] =	ssyncadd.s32 $0xFFFFC000  }
0x3c: {  	[spmem:s2] =	stream.indirect.scatter.add.f32 [tilespmem:s19], [sflag:$0x1], $0x80, s21, s18, $0xb8;
	[tilespmem:$0x1BE80] =	vst v63  }
0x3d: {  	_ =	swait.ge [sflag:s14], $0x4000  }
0x3e: {  	[sflag:s14] =	ssyncset.done $0x0  }
0x3f: {  	s30 =	simm.s32 $0x1400;
	[sflag:s14] =	ssyncadd.s32 $0xFFFFC000  }
0x40: {  	[tilespmem:s19], [sflag:$0x1] =	stream.indirect.gather [spmem:s1], $0x80, s30, s18, $0xb8;
	[tilespmem:$0x1BE80] =	vst v63  }
0x41: {  	_ =	swait.ge [sflag:s14], $0x4000  }
0x42: {  	[sflag:s14] =	ssyncset.done $0x0  }
0x43: {  	s31 =	simm.s32 $0x2800;
	[sflag:s14] =	ssyncadd.s32 $0xFFFFC000  }
0x44: {  	[spmem:s2] =	stream.indirect.scatter.add.f32 [tilespmem:s19], [sflag:$0x1], $0x80, s31, s18, $0xb8;
	[tilespmem:$0x1BE80] =	vst v63  }
0x45: {  	_ =	swait.ge [sflag:s14], $0x4000  }
0x46: {  	s22 =	simm.s32 $0x400;
	s21 =	simm.s32 $0x80;
	[sflag:s14] =	ssyncset.done $0x0  }
.LBB2_4:
0x47: {  	s23 =	sadd.s32 $0x1400, s21  }
0x48: {  	[sflag:s14] =	ssyncadd.s32 $0xFFFFC000;
	s24 =	smov.u32 s22;
	s25 =	sadd.s32 $0x200, s22  }
0x49: {  	[tilespmem:s19], [sflag:$0x1] =	stream.indirect.gather [spmem:s1], $0x80, s23, s18, $0xb8;
	[tilespmem:$0x1BE80] =	vst v63  }
0x4a: {  	p1 =	sne.s32 s22, $0x4E00;
	_ =	swait.ge [sflag:s14], $0x4000  }
.Ltmp1:
0x4b: {  	[sflag:s14] =	ssyncset.done $0x0;
	(pc) =	sbr.rel @p1 .LBB2_4-.Ltmp1, $4  }
0x4c: {  	s21 =	sadd.s32 $0x2800, s21;
	[sflag:s14] =	ssyncadd.s32 $0xFFFFC000  }
0x4d: {  	[spmem:s2] =	stream.indirect.scatter.add.f32 [tilespmem:s19], [sflag:$0x1], $0x80, s21, s18, $0xb8;
	[tilespmem:$0x1BE80] =	vst v63  }
0x4e: {  	_ =	swait.ge [sflag:s14], $0x4000  }
0x4f: {  	s22 =	smov.u32 s25;
	s21 =	sshra.s32 s24, $0x2;
	[sflag:s14] =	ssyncset.done $0x0  }
0x50: {  	s22 =	sadd.s32 $0x1400, s21;
	[sflag:s14] =	ssyncadd.s32 $0xFFFFC000  }
0x51: {  	[tilespmem:s19], [sflag:$0x1] =	stream.indirect.gather [spmem:s1], $0x80, s22, s18, $0xb8;
	[tilespmem:$0x1BE80] =	vst v63  }
0x52: {  	_ =	swait.ge [sflag:s14], $0x4000  }
0x53: {  	[sflag:s14] =	ssyncset.done $0x0  }
0x54: {  	s31 =	sadd.s32 $0x2800, s21;
	[sflag:s14] =	ssyncadd.s32 $0xFFFFC000  }
0x55: {  	[spmem:s2] =	stream.indirect.scatter.add.f32 [tilespmem:s19], [sflag:$0x1], $0x80, s31, s18, $0xb8;
	[tilespmem:$0x1BE80] =	vst v63  }
0x56: {  	_ =	swait.ge [sflag:s14], $0x4000  }
0x57: {  	s20 =	sadd.s32 $0x1, s20;
	[sflag:s14] =	ssyncset.done $0x0  }
0x58: {  	p1 =	sne.s32 s20, s12;
	[sflag:s14] =	ssyncadd.s32 $0xFFFFC000  }
.Ltmp2:
0x59: {  	[bflag:$0x0] =	sbarrier.arrive $0xFFFF;
	(pc) =	sbr.rel @p1 .LBB2_1-.Ltmp2, $4  }
0x5a: {  	[hbm:s11], [sflag:s6] =	dma.local [spmem:s13], $0x2780  }
0x5b: {  	_ =	swait.ge [sflag:s14], $0x2780  }
0x5c: {  	[sflag:s14] =	ssyncset.done $0x0  }
0x5d: {  	[sflag:s14] =	ssyncadd.s32 $0xFFFFD880  }
0x5e: {  	_ =	sfence.sel $0x180000  }
0x5f: {  	[bflag:$0x0] =	sbarrier.arrive $0xFFFF  }
0x60: {  	_ =	strace $0x90000047  }
0x61: {  	s0 =	sadd.s32 @!p0 $0x100000, s0;
	[bflag:$0x2] =	sbarrier.arrive $0xFFFF  }
0x62: {  	[sflag:s0] =	ssyncadd.tile.s32 @!p0 $0x1;
	_ =	shalt  }
.Lfunc_end2:
_tile_overlayer_lowered:
.L_overlay_start_2:
0x63: {  	(tag) =	ssettag $0x2  }
0x64: {  	s0 =	rddreg [dreg:$0x0];
	s2 =	stileid.u32  }
0x65: {  	s1 =	rddreg [dreg:$0x1];
	p0 =	sne.s32 s2, $0x0  }
0x66: {  	s3 =	rddreg [dreg:$0x2];
	[bflag:$0x3] =	sbarrier.arrive $0xFFFF;
	s2 =	simm.s32 @!p0 $0x1C01  }
0x67: {  	[timem:s3], [sflag:s2] =	dma.local @!p0 [hbm:s0], s1  }
0x68: {  	s0 =	simm.s32 @!p0 $0x1  }
0x69: {  	_ =	swait.ge @!p0 [sflag:s0], s1  }
0x6a: {  	s1 =	ssub.s32 @!p0 $0x0, s1;
	[sflag:s0] =	ssyncset.done @!p0 $0x0  }
0x6b: {  	[sflag:s0] =	ssyncadd.s32 @!p0 s1  }
0x6c: {  	[bflag:$0x3] =	sbarrier.arrive $0xFFFF  }
0x6d: {  	_ =	shalt  }

</sc_bundles>
